<compile_context>
chip_gen: v7x
topology: tpu7x:2x2x1
jax: 0.10.2.dev20260603
libtpu: 0.0.44.dev20260713+nightly
codegen_flags: <defaults>
</compile_context>

<pallas_src>
import functools

import jax
import jax.numpy as jnp
from jax import lax
from jax.experimental import pallas as pl
from jax.experimental.pallas import tpu as pltpu
from jax.experimental.pallas import tpu_sc as plsc

NC = 2
NS = 16
CHUNK = 128


def _sc_scatter(n, e, r, interpret=False):
    num_chunks = e // CHUNK
    nw = NC * NS
    cpw = -(-num_chunks // nw)
    rows_per_tile = n // NS

    mesh = plsc.VectorSubcoreMesh(core_axis_name="c", subcore_axis_name="s",
                                  num_cores=NC, num_subcores=NS)

    @functools.partial(
        pl.kernel,
        out_type=jax.ShapeDtypeStruct((NC, n, r), jnp.float32),
        mesh=mesh,
        scratch_types=[
            pltpu.VMEM((CHUNK,), jnp.int32),
            pltpu.VMEM((CHUNK,), jnp.int32),
            pltpu.VMEM((CHUNK, r), jnp.float32),
            pltpu.VMEM_SHARED((n, r), jnp.float32),
            pltpu.SemaphoreType.DMA,
        ],
        compiler_params=pltpu.CompilerParams(use_tc_tiling_on_sc=False),
        interpret=interpret,
    )
    def body(xaug_hbm, src_hbm, dst_hbm, zero_hbm, out_hbm,
             src_v, dst_v, rows_v, acc_sh, sem):
        cid = lax.axis_index("c")
        sid = lax.axis_index("s")
        wid = sid * NC + cid

        r0 = sid * rows_per_tile
        pltpu.sync_copy(zero_hbm.at[pl.ds(r0, rows_per_tile)],
                        acc_sh.at[pl.ds(r0, rows_per_tile)])
        plsc.subcore_barrier()

        def step(j, _):
            chunk = wid * cpw + j

            @pl.when(chunk < num_chunks)
            def _():
                base = chunk * CHUNK
                pltpu.sync_copy(src_hbm.at[pl.ds(base, CHUNK)], src_v)
                pltpu.sync_copy(dst_hbm.at[pl.ds(base, CHUNK)], dst_v)
                pltpu.async_copy(xaug_hbm.at[src_v], rows_v, sem).wait()
                pltpu.sync_copy(rows_v, acc_sh.at[dst_v], add=True)

            return _

        lax.fori_loop(0, cpw, step, None)
        plsc.subcore_barrier()

        pltpu.sync_copy(acc_sh.at[pl.ds(r0, rows_per_tile)],
                        out_hbm.at[cid, pl.ds(r0, rows_per_tile)])

    return body


def _tc_mlp(n, d, r, interpret=False):
    bn = 2000
    assert n % bn == 0

    def body(acc_ref, noise_ref, w1_ref, b1_ref, w2_ref, b2_ref, out_ref):
        a = acc_ref[0]
        b = acc_ref[1]
        summed = a[:, :d] + b[:, :d]
        cnt = a[:, d:d + 1] + b[:, d:d + 1]
        g = summed / jnp.maximum(cnt, 1.0) + noise_ref[...]
        h = jnp.maximum(
            jnp.dot(g, w1_ref[...], preferred_element_type=jnp.float32)
            + b1_ref[...], 0.0)
        o = jnp.maximum(
            jnp.dot(h, w2_ref[...], preferred_element_type=jnp.float32)
            + b2_ref[...], 0.0)
        out_ref[...] = o

    dh = d // 2
    return pl.pallas_call(
        body,
        grid=(n // bn,),
        in_specs=[
            pl.BlockSpec((NC, bn, r), lambda i: (0, i, 0)),
            pl.BlockSpec((bn, d), lambda i: (i, 0)),
            pl.BlockSpec((d, dh), lambda i: (0, 0)),
            pl.BlockSpec((1, dh), lambda i: (0, 0)),
            pl.BlockSpec((dh, d), lambda i: (0, 0)),
            pl.BlockSpec((1, d), lambda i: (0, 0)),
        ],
        out_specs=pl.BlockSpec((bn, d), lambda i: (i, 0)),
        out_shape=jax.ShapeDtypeStruct((n, d), jnp.float32),
        interpret=interpret,
    )


def kernel(x, edge_index, batch, W1, b1, W2, b2, noise):
    n, d = x.shape
    e = edge_index.shape[1]
    r = 144

    ones_pad = jnp.concatenate(
        [jnp.ones((n, 1), jnp.float32), jnp.zeros((n, r - d - 1), jnp.float32)],
        axis=1)
    x_aug = jnp.concatenate([x, ones_pad], axis=1)

    acc = _sc_scatter(n, e, r)(x_aug, edge_index[0], edge_index[1],
                               jnp.zeros((n, r), jnp.float32))
    return _tc_mlp(n, d, r)(acc, noise, W1, b1.reshape(1, -1), W2,
                            b2.reshape(1, -1))

# --- scband reference (transcript-rebuilt; emitter-appended) ---
"""Pipeline reference for scband-gan-63041529971278 (READ-ONLY COPY).

The authoritative reference and input builder live on the scoring server;
editing this copy changes nothing except your own understanding.
"""

import jax, jax.numpy as jnp
import numpy as np

N = 10000
E = 320000
D = 128
G = 64


def setup_inputs(seed: int = 0) -> dict:
    key = jax.random.key(seed)
    ks = jax.random.split(key, 8)
    x = jax.random.normal(ks[0], (N, D), dtype=jnp.float32)
    edge_index = jax.random.randint(ks[1], (2, E), 0, N, dtype=jnp.int32)
    batch = jnp.sort(jax.random.randint(ks[2], (N,), 0, G, dtype=jnp.int32))
    # Generator parameters (fc1: D -> D//2, fc2: D//2 -> D)
    W1 = jax.random.normal(ks[3], (D, D // 2), dtype=jnp.float32) * 0.05
    b1 = jnp.zeros((D // 2,), dtype=jnp.float32)
    W2 = jax.random.normal(ks[4], (D // 2, D), dtype=jnp.float32) * 0.05
    b2 = jnp.zeros((D,), dtype=jnp.float32)
    # Gaussian noise added to the mean-aggregated neighbor features (fixed for determinism)
    noise = jax.random.normal(ks[5], (N, D), dtype=jnp.float32)
    return {"x": x, "edge_index": edge_index, "batch": batch,
            "W1": W1, "b1": b1, "W2": W2, "b2": b2, "noise": noise}


def reference(x, edge_index, batch, W1, b1, W2, b2, noise):
    # NeighborPropagate: message = x_j (source features), aggregate = mean over dst
    src = edge_index[0]
    dst = edge_index[1]
    msg = jnp.take(x, src, axis=0)                                   # gather [E, D]
    summed = jax.ops.segment_sum(msg, dst, num_segments=N)           # scatter-add
    counts = jax.ops.segment_sum(jnp.ones((E,), dtype=x.dtype), dst, num_segments=N)
    x_neighbor = summed / jnp.maximum(counts, 1.0)[:, None]          # mean aggregation
    # gaussian_noise = x_neighbor + randn
    g = x_neighbor + noise
    # Generator: relu(fc2(relu(fc1(g))))
    h = jax.nn.relu(g @ W1 + b1)
    x_gen = jax.nn.relu(h @ W2 + b2)
    # (batch is used only for pooling inside the discarded discriminator loss;
    #  the module returns x_gen)
    return x_gen

if __name__ == "__main__":
    import jax
    _d = setup_inputs()
    print(jax.jit(kernel)(*tuple(_d.values())))

</pallas_src>

<mosaic_0001>
#map = affine_map<(d0, d1) -> (0, 0)>
#map1 = affine_map<(d0, d1) -> (0)>
#map2 = affine_map<(d0, d1) -> (0, 0, 0)>
module attributes {stable_mosaic.version = 14 : i64} {
  func.func @body(%arg0: i32, %arg1: i32, %arg2: memref<10000x144xf32, #tpu.memory_space<hbm>>, %arg3: memref<320000xi32, #tpu.memory_space<hbm>>, %arg4: memref<320000xi32, #tpu.memory_space<hbm>>, %arg5: memref<10000x144xf32, #tpu.memory_space<hbm>>, %arg6: memref<2x10000x144xf32, #tpu.memory_space<hbm>>, %arg7: memref<128xi32, #tpu.memory_space<vmem>>, %arg8: memref<128xi32, #tpu.memory_space<vmem>>, %arg9: memref<128x144xf32, #tpu.memory_space<vmem>>, %arg10: memref<10000x144xf32, #tpu.memory_space<vmem_shared>>, %arg11: memref<!tpu.dma_semaphore, #tpu.memory_space<semaphore_mem>>) attributes {dimension_semantics = [#tpu.dimension_semantics<core_parallel>, #tpu.dimension_semantics<subcore_parallel>], iteration_bounds = array<i64: 2, 16>, scalar_prefetch = 0 : i64, scratch_operands = 5 : i64, tpu.core_type = #tpu.core_type<sc_vector_subcore>, window_params = [{transform_indices = #map}, {transform_indices = #map1}, {transform_indices = #map1}, {transform_indices = #map}, {transform_indices = #map2}]} {
    %mul3A = arith.constant 2 : i32
    %mul3A_0 = arith.muli %arg1, %mul3A : i32
    %add3A = arith.addi %mul3A_0, %arg0 : i32
    %mul3A_1 = arith.constant 625 : i32
    %mul3A_2 = arith.muli %arg1, %mul3A_1 : i32
    "tpu.region"() ({
      %run_scoped3A = tpu.sem_alloc : memref<!tpu.dma_semaphore, #tpu.memory_space<semaphore_mem>>
      %dma_start3A = arith.constant 0 : i32
      %dma_start3A_8 = tpu.memref_slice %arg10[%mul3A_2, %dma_start3A] : memref<10000x144xf32, #tpu.memory_space<vmem_shared>> -> memref<625x144xf32, #tpu.memory_space<vmem_shared>>
      %dma_start3A_9 = arith.constant 0 : i32
      %dma_start3A_10 = tpu.memref_slice %arg5[%mul3A_2, %dma_start3A_9] : memref<10000x144xf32, #tpu.memory_space<hbm>> -> memref<625x144xf32, #tpu.memory_space<hbm>>
      tpu.enqueue_dma source(%dma_start3A_10 : memref<625x144xf32, #tpu.memory_space<hbm>>) target(%dma_start3A_8 : memref<625x144xf32, #tpu.memory_space<vmem_shared>>) target_semaphore(%run_scoped3A : memref<!tpu.dma_semaphore, #tpu.memory_space<semaphore_mem>>)
      %dma_wait3A = arith.constant 0 : i32
      %dma_wait3A_11 = tpu.memref_slice %arg10[%mul3A_2, %dma_wait3A] : memref<10000x144xf32, #tpu.memory_space<vmem_shared>> -> memref<625x144xf32, #tpu.memory_space<vmem_shared>>
      %dma_wait3A_12 = arith.constant 0 : i32
      %dma_wait3A_13 = tpu.memref_slice %arg5[%mul3A_2, %dma_wait3A_12] : memref<10000x144xf32, #tpu.memory_space<hbm>> -> memref<625x144xf32, #tpu.memory_space<hbm>>
      tpu.wait_dma2 semaphore(%run_scoped3A : memref<!tpu.dma_semaphore, #tpu.memory_space<semaphore_mem>>) src(%dma_wait3A_13 : memref<625x144xf32, #tpu.memory_space<hbm>>) dst(%dma_wait3A_11 : memref<625x144xf32, #tpu.memory_space<vmem_shared>>)
      tpu.yield
    }) : () -> ()
    %barrier3A = arith.constant 0 : index
    tpu.barrier barrier_id(%barrier3A)
    %scan3A = arith.constant 0 : i32
    %scan3A_3 = arith.constant 79 : i32
    %scan3A_4 = arith.addi %scan3A, %scan3A_3 : i32
    %scan3A_5 = arith.constant 1 : i32
    scf.for %scan3A_8 = %scan3A to %scan3A_4 step %scan3A_5  : i32 {
      %mul3A_9 = arith.constant 79 : i32
      %mul3A_10 = arith.muli %add3A, %mul3A_9 : i32
      %add3A_11 = arith.addi %mul3A_10, %scan3A_8 : i32
      %lt3A = arith.constant 2500 : i32
      %lt3A_12 = arith.cmpi slt, %add3A_11, %lt3A : i32
      %convert_element_type3A = arith.extui %lt3A_12 : i1 to i32
      %cond3A = arith.constant 0 : i32
      %cond3A_13 = arith.cmpi ne, %convert_element_type3A, %cond3A : i32
      scf.if %cond3A_13 {
        %mul3A_14 = arith.constant 128 : i32
        %mul3A_15 = arith.muli %add3A_11, %mul3A_14 : i32
        "tpu.region"() ({
          %run_scoped3A = tpu.sem_alloc : memref<!tpu.dma_semaphore, #tpu.memory_space<semaphore_mem>>
          %dma_start3A_20 = tpu.memref_slice %arg3[%mul3A_15] : memref<320000xi32, #tpu.memory_space<hbm>> -> memref<128xi32, #tpu.memory_space<hbm>>
          %dma_start3A_21 = tpu.memref_slice %arg3[%mul3A_15] : memref<320000xi32, #tpu.memory_space<hbm>> -> memref<128xi32, #tpu.memory_space<hbm>>
          tpu.enqueue_dma source(%dma_start3A_21 : memref<128xi32, #tpu.memory_space<hbm>>) target(%arg7 : memref<128xi32, #tpu.memory_space<vmem>>) target_semaphore(%run_scoped3A : memref<!tpu.dma_semaphore, #tpu.memory_space<semaphore_mem>>)
          %dma_wait3A_22 = tpu.memref_slice %arg3[%mul3A_15] : memref<320000xi32, #tpu.memory_space<hbm>> -> memref<128xi32, #tpu.memory_space<hbm>>
          %dma_wait3A_23 = tpu.memref_slice %arg3[%mul3A_15] : memref<320000xi32, #tpu.memory_space<hbm>> -> memref<128xi32, #tpu.memory_space<hbm>>
          tpu.wait_dma2 semaphore(%run_scoped3A : memref<!tpu.dma_semaphore, #tpu.memory_space<semaphore_mem>>) src(%dma_wait3A_23 : memref<128xi32, #tpu.memory_space<hbm>>) dst(%arg7 : memref<128xi32, #tpu.memory_space<vmem>>)
          tpu.yield
        }) : () -> ()
        "tpu.region"() ({
          %run_scoped3A = tpu.sem_alloc : memref<!tpu.dma_semaphore, #tpu.memory_space<semaphore_mem>>
          %dma_start3A_20 = tpu.memref_slice %arg4[%mul3A_15] : memref<320000xi32, #tpu.memory_space<hbm>> -> memref<128xi32, #tpu.memory_space<hbm>>
          %dma_start3A_21 = tpu.memref_slice %arg4[%mul3A_15] : memref<320000xi32, #tpu.memory_space<hbm>> -> memref<128xi32, #tpu.memory_space<hbm>>
          tpu.enqueue_dma source(%dma_start3A_21 : memref<128xi32, #tpu.memory_space<hbm>>) target(%arg8 : memref<128xi32, #tpu.memory_space<vmem>>) target_semaphore(%run_scoped3A : memref<!tpu.dma_semaphore, #tpu.memory_space<semaphore_mem>>)
          %dma_wait3A_22 = tpu.memref_slice %arg4[%mul3A_15] : memref<320000xi32, #tpu.memory_space<hbm>> -> memref<128xi32, #tpu.memory_space<hbm>>
          %dma_wait3A_23 = tpu.memref_slice %arg4[%mul3A_15] : memref<320000xi32, #tpu.memory_space<hbm>> -> memref<128xi32, #tpu.memory_space<hbm>>
          tpu.wait_dma2 semaphore(%run_scoped3A : memref<!tpu.dma_semaphore, #tpu.memory_space<semaphore_mem>>) src(%dma_wait3A_23 : memref<128xi32, #tpu.memory_space<hbm>>) dst(%arg8 : memref<128xi32, #tpu.memory_space<vmem>>)
          tpu.yield
        }) : () -> ()
        %dma_start3A = arith.constant 0 : i32
        %dma_start3A_16 = arith.constant 0 : i32
        %dma_start3A_17 = tpu.memref_slice %arg2[%dma_start3A, %dma_start3A_16] : memref<10000x144xf32, #tpu.memory_space<hbm>> -> memref<10000x144xf32, #tpu.memory_space<hbm>>
        tpu.enqueue_indirect_dma source(%dma_start3A_17 : memref<10000x144xf32, #tpu.memory_space<hbm>>) target(%arg9 : memref<128x144xf32, #tpu.memory_space<vmem>>) offsets(%arg7 : memref<128xi32, #tpu.memory_space<vmem>>) semaphore(%arg11 : memref<!tpu.dma_semaphore, #tpu.memory_space<semaphore_mem>>)
        %dma_wait3A = arith.constant 0 : i32
        %dma_wait3A_18 = arith.constant 0 : i32
        %dma_wait3A_19 = tpu.memref_slice %arg2[%dma_wait3A, %dma_wait3A_18] : memref<10000x144xf32, #tpu.memory_space<hbm>> -> memref<10000x144xf32, #tpu.memory_space<hbm>>
        tpu.wait_indirect_dma semaphore(%arg11 : memref<!tpu.dma_semaphore, #tpu.memory_space<semaphore_mem>>) src(%dma_wait3A_19 : memref<10000x144xf32, #tpu.memory_space<hbm>>) dst(%arg9 : memref<128x144xf32, #tpu.memory_space<vmem>>)
        "tpu.region"() ({
          %run_scoped3A = tpu.sem_alloc : memref<!tpu.dma_semaphore, #tpu.memory_space<semaphore_mem>>
          %dma_start3A_20 = arith.constant 0 : i32
          %dma_start3A_21 = arith.constant 0 : i32
          %dma_start3A_22 = tpu.memref_slice %arg10[%dma_start3A_20, %dma_start3A_21] : memref<10000x144xf32, #tpu.memory_space<vmem_shared>> -> memref<10000x144xf32, #tpu.memory_space<vmem_shared>>
          tpu.enqueue_indirect_dma source(%arg9 : memref<128x144xf32, #tpu.memory_space<vmem>>) target(%dma_start3A_22 : memref<10000x144xf32, #tpu.memory_space<vmem_shared>>) offsets(%arg8 : memref<128xi32, #tpu.memory_space<vmem>>) semaphore(%run_scoped3A : memref<!tpu.dma_semaphore, #tpu.memory_space<semaphore_mem>>) {add = true}
          %dma_wait3A_23 = arith.constant 0 : i32
          %dma_wait3A_24 = arith.constant 0 : i32
          %dma_wait3A_25 = tpu.memref_slice %arg10[%dma_wait3A_23, %dma_wait3A_24] : memref<10000x144xf32, #tpu.memory_space<vmem_shared>> -> memref<10000x144xf32, #tpu.memory_space<vmem_shared>>
          tpu.wait_indirect_dma semaphore(%run_scoped3A : memref<!tpu.dma_semaphore, #tpu.memory_space<semaphore_mem>>) src(%arg9 : memref<128x144xf32, #tpu.memory_space<vmem>>) dst(%dma_wait3A_25 : memref<10000x144xf32, #tpu.memory_space<vmem_shared>>)
          tpu.yield
        }) : () -> ()
      } else {
      }
    }
    %scan3A_6 = arith.constant 79 : i32
    %barrier3A_7 = arith.constant 0 : index
    tpu.barrier barrier_id(%barrier3A_7)
    "tpu.region"() ({
      %run_scoped3A = tpu.sem_alloc : memref<!tpu.dma_semaphore, #tpu.memory_space<semaphore_mem>>
      %dma_start3A = arith.constant 0 : i32
      %dma_start3A_8 = tpu.memref_slice %arg6[%arg0, %mul3A_2, %dma_start3A] : memref<2x10000x144xf32, #tpu.memory_space<hbm>> -> memref<1x625x144xf32, #tpu.memory_space<hbm>>
      %dma_start3A_9 = tpu.memref_squeeze %dma_start3A_8 : memref<1x625x144xf32, #tpu.memory_space<hbm>> -> memref<625x144xf32, #tpu.memory_space<hbm>>
      %dma_start3A_10 = arith.constant 0 : i32
      %dma_start3A_11 = tpu.memref_slice %arg10[%mul3A_2, %dma_start3A_10] : memref<10000x144xf32, #tpu.memory_space<vmem_shared>> -> memref<625x144xf32, #tpu.memory_space<vmem_shared>>
      tpu.enqueue_dma source(%dma_start3A_11 : memref<625x144xf32, #tpu.memory_space<vmem_shared>>) target(%dma_start3A_9 : memref<625x144xf32, #tpu.memory_space<hbm>>) target_semaphore(%run_scoped3A : memref<!tpu.dma_semaphore, #tpu.memory_space<semaphore_mem>>)
      %dma_wait3A = arith.constant 0 : i32
      %dma_wait3A_12 = tpu.memref_slice %arg6[%arg0, %mul3A_2, %dma_wait3A] : memref<2x10000x144xf32, #tpu.memory_space<hbm>> -> memref<1x625x144xf32, #tpu.memory_space<hbm>>
      %dma_wait3A_13 = tpu.memref_squeeze %dma_wait3A_12 : memref<1x625x144xf32, #tpu.memory_space<hbm>> -> memref<625x144xf32, #tpu.memory_space<hbm>>
      %dma_wait3A_14 = arith.constant 0 : i32
      %dma_wait3A_15 = tpu.memref_slice %arg10[%mul3A_2, %dma_wait3A_14] : memref<10000x144xf32, #tpu.memory_space<vmem_shared>> -> memref<625x144xf32, #tpu.memory_space<vmem_shared>>
      tpu.wait_dma2 semaphore(%run_scoped3A : memref<!tpu.dma_semaphore, #tpu.memory_space<semaphore_mem>>) src(%dma_wait3A_15 : memref<625x144xf32, #tpu.memory_space<vmem_shared>>) dst(%dma_wait3A_13 : memref<625x144xf32, #tpu.memory_space<hbm>>)
      tpu.yield
    }) : () -> ()
    return
  }
}

module attributes {stable_mosaic.version = 14 : i64} {
  func.func @body(%arg0: i32, %arg1: memref<2x2000x144xf32, #tpu.memory_space<vmem>>, %arg2: memref<2000x128xf32, #tpu.memory_space<vmem>>, %arg3: memref<128x64xf32, #tpu.memory_space<vmem>>, %arg4: memref<1x64xf32, #tpu.memory_space<vmem>>, %arg5: memref<64x128xf32, #tpu.memory_space<vmem>>, %arg6: memref<1x128xf32, #tpu.memory_space<vmem>>, %arg7: memref<2000x128xf32, #tpu.memory_space<vmem>>) attributes {dimension_semantics = [#tpu.dimension_semantics<arbitrary>], iteration_bounds = array<i64: 5>, scalar_prefetch = 0 : i64, scratch_operands = 0 : i64, tpu.core_type = #tpu.core_type<tc>, window_params = [{transform_indices = @transform_0, window_bounds = array<i64: 2, 2000, 144>}, {transform_indices = @transform_1, window_bounds = array<i64: 2000, 128>}, {pipeline_mode = #tpu.pipeline_mode<synchronous>, transform_indices = @transform_2, window_bounds = array<i64: 128, 64>}, {pipeline_mode = #tpu.pipeline_mode<synchronous>, transform_indices = @transform_3, window_bounds = array<i64: 1, 64>}, {pipeline_mode = #tpu.pipeline_mode<synchronous>, transform_indices = @transform_4, window_bounds = array<i64: 64, 128>}, {pipeline_mode = #tpu.pipeline_mode<synchronous>, transform_indices = @transform_5, window_bounds = array<i64: 1, 128>}, {transform_indices = @transform_6, window_bounds = array<i64: 2000, 128>}]} {
    %get3A = arith.constant 0 : index
    %get3A_0 = arith.constant 0 : index
    %get3A_1 = arith.constant 0 : index
    %get3A_2 = vector.load %arg1[%get3A, %get3A_0, %get3A_1] : memref<2x2000x144xf32, #tpu.memory_space<vmem>>, vector<1x2000x144xf32>
    %get3A_3 = vector.shape_cast %get3A_2 : vector<1x2000x144xf32> to vector<2000x144xf32>
    %get3A_4 = arith.constant 1 : index
    %get3A_5 = arith.constant 0 : index
    %get3A_6 = arith.constant 0 : index
    %get3A_7 = vector.load %arg1[%get3A_4, %get3A_5, %get3A_6] : memref<2x2000x144xf32, #tpu.memory_space<vmem>>, vector<1x2000x144xf32>
    %get3A_8 = vector.shape_cast %get3A_7 : vector<1x2000x144xf32> to vector<2000x144xf32>
    %slice3A = vector.extract_strided_slice %get3A_3 {offsets = [0, 0], sizes = [2000, 128], strides = [1, 1]} : vector<2000x144xf32> to vector<2000x128xf32>
    %slice3A_9 = vector.extract_strided_slice %get3A_8 {offsets = [0, 0], sizes = [2000, 128], strides = [1, 1]} : vector<2000x144xf32> to vector<2000x128xf32>
    %add3A = arith.addf %slice3A, %slice3A_9 : vector<2000x128xf32>
    %slice3A_10 = vector.extract_strided_slice %get3A_3 {offsets = [0, 128], sizes = [2000, 1], strides = [1, 1]} : vector<2000x144xf32> to vector<2000x1xf32>
    %slice3A_11 = vector.extract_strided_slice %get3A_8 {offsets = [0, 128], sizes = [2000, 1], strides = [1, 1]} : vector<2000x144xf32> to vector<2000x1xf32>
    %add3A_12 = arith.addf %slice3A_10, %slice3A_11 : vector<2000x1xf32>
    %max3A = arith.constant 1.000000e+00 : f32
    %max3A_13 = vector.broadcast %max3A : f32 to vector<2000x1xf32>
    %max3A_14 = arith.maximumf %add3A_12, %max3A_13 : vector<2000x1xf32>
    %div3A = vector.broadcast %max3A_14 : vector<2000x1xf32> to vector<2000x128xf32>
    %div3A_15 = arith.divf %add3A, %div3A : vector<2000x128xf32>
    %get3A_16 = arith.constant 0 : index
    %get3A_17 = arith.constant 0 : index
    %get3A_18 = vector.load %arg2[%get3A_16, %get3A_17] : memref<2000x128xf32, #tpu.memory_space<vmem>>, vector<2000x128xf32>
    %add3A_19 = arith.addf %div3A_15, %get3A_18 : vector<2000x128xf32>
    %get3A_20 = arith.constant 0 : index
    %get3A_21 = arith.constant 0 : index
    %get3A_22 = vector.load %arg3[%get3A_20, %get3A_21] : memref<128x64xf32, #tpu.memory_space<vmem>>, vector<128x64xf32>
    %dot_general3A = arith.constant dense<0.000000e+00> : vector<2000x64xf32>
    %dot_general3A_23 = tpu.matmul %add3A_19, %get3A_22, %dot_general3A {dimension_numbers = #tpu.dot_dimension_numbers<[1], [0], [0], [1], [0, 0, 1, 1], [], []>, transpose_lhs_hint = false} : vector<2000x128xf32>, vector<128x64xf32>, vector<2000x64xf32> -> vector<2000x64xf32>
    %get3A_24 = arith.constant 0 : index
    %get3A_25 = arith.constant 0 : index
    %get3A_26 = vector.load %arg4[%get3A_24, %get3A_25] : memref<1x64xf32, #tpu.memory_space<vmem>>, vector<1x64xf32>
    %add3A_27 = vector.broadcast %get3A_26 : vector<1x64xf32> to vector<2000x64xf32>
    %add3A_28 = arith.addf %dot_general3A_23, %add3A_27 : vector<2000x64xf32>
    %max3A_29 = arith.constant 0.000000e+00 : f32
    %max3A_30 = vector.broadcast %max3A_29 : f32 to vector<2000x64xf32>
    %max3A_31 = arith.maximumf %add3A_28, %max3A_30 : vector<2000x64xf32>
    %get3A_32 = arith.constant 0 : index
    %get3A_33 = arith.constant 0 : index
    %get3A_34 = vector.load %arg5[%get3A_32, %get3A_33] : memref<64x128xf32, #tpu.memory_space<vmem>>, vector<64x128xf32>
    %dot_general3A_35 = arith.constant dense<0.000000e+00> : vector<2000x128xf32>
    %dot_general3A_36 = tpu.matmul %max3A_31, %get3A_34, %dot_general3A_35 {dimension_numbers = #tpu.dot_dimension_numbers<[1], [0], [0], [1], [0, 0, 1, 1], [], []>, transpose_lhs_hint = false} : vector<2000x64xf32>, vector<64x128xf32>, vector<2000x128xf32> -> vector<2000x128xf32>
    %get3A_37 = arith.constant 0 : index
    %get3A_38 = arith.constant 0 : index
    %get3A_39 = vector.load %arg6[%get3A_37, %get3A_38] : memref<1x128xf32, #tpu.memory_space<vmem>>, vector<1x128xf32>
    %add3A_40 = vector.broadcast %get3A_39 : vector<1x128xf32> to vector<2000x128xf32>
    %add3A_41 = arith.addf %dot_general3A_36, %add3A_40 : vector<2000x128xf32>
    %max3A_42 = arith.constant 0.000000e+00 : f32
    %max3A_43 = vector.broadcast %max3A_42 : f32 to vector<2000x128xf32>
    %max3A_44 = arith.maximumf %add3A_41, %max3A_43 : vector<2000x128xf32>
    %swap3A = arith.constant 0 : index
    %swap3A_45 = arith.constant 0 : index
    %swap3A_46 = vector.load %arg7[%swap3A, %swap3A_45] : memref<2000x128xf32, #tpu.memory_space<vmem>>, vector<2000x128xf32>
    tpu.vector_store %arg7[%swap3A, %swap3A_45], %max3A_44 {strides = array<i32>} : memref<2000x128xf32, #tpu.memory_space<vmem>>, vector<2000x128xf32>,
    return
  }
  func.func @transform_0(%arg0: i32) -> (i32, i32, i32) {
    %c0_i32 = arith.constant 0 : i32
    %c0_i32_0 = arith.constant 0 : i32
    %c0_i32_1 = arith.constant 0 : i32
    return %c0_i32, %arg0, %c0_i32_0 : i32, i32, i32
  }
  func.func @transform_1(%arg0: i32) -> (i32, i32) {
    %c0_i32 = arith.constant 0 : i32
    %c0_i32_0 = arith.constant 0 : i32
    return %arg0, %c0_i32 : i32, i32
  }
  func.func @transform_2(%arg0: i32) -> (i32, i32) {
    %c0_i32 = arith.constant 0 : i32
    %c0_i32_0 = arith.constant 0 : i32
    %c0_i32_1 = arith.constant 0 : i32
    return %c0_i32, %c0_i32_0 : i32, i32
  }
  func.func @transform_3(%arg0: i32) -> (i32, i32) {
    %c0_i32 = arith.constant 0 : i32
    %c0_i32_0 = arith.constant 0 : i32
    %c0_i32_1 = arith.constant 0 : i32
    return %c0_i32, %c0_i32_0 : i32, i32
  }
  func.func @transform_4(%arg0: i32) -> (i32, i32) {
    %c0_i32 = arith.constant 0 : i32
    %c0_i32_0 = arith.constant 0 : i32
    %c0_i32_1 = arith.constant 0 : i32
    return %c0_i32, %c0_i32_0 : i32, i32
  }
  func.func @transform_5(%arg0: i32) -> (i32, i32) {
    %c0_i32 = arith.constant 0 : i32
    %c0_i32_0 = arith.constant 0 : i32
    %c0_i32_1 = arith.constant 0 : i32
    return %c0_i32, %c0_i32_0 : i32, i32
  }
  func.func @transform_6(%arg0: i32) -> (i32, i32) {
    %c0_i32 = arith.constant 0 : i32
    %c0_i32_0 = arith.constant 0 : i32
    return %arg0, %c0_i32 : i32, i32
  }
}

</mosaic_0001>

<sc_bundles>
// kernel: kernel.4.cloned.1.call-start
scs
__scs_entry_jumppad:
0x0: {  	(pc) =	sbr.rel $0x88, $3  }
0x1: {  	(tag) =	ssettag $0x0;
	lr =	simm.s32 $0x1  }
0x2: {  	[smem:$0x3F9A] =	sst lr;
	_ =	strace $0xD0000000  }
0x3: {  	_ = 	snop  }
0x4: {  	_ = 	snop  }
0x5: {  	_ = 	snop  }
0x6: {  	_ = 	snop  }
0x7: {  	_ = 	snop  }
__scs_overlays_trampoline_lowered:
0x8: {  	[smem:$0x3FA9] =	sst s0  }
0x9: {  	[smem:$0x3FAA] =	sst s1  }
0xa: {  	[smem:$0x3FAB] =	sst s2  }
0xb: {  	[smem:$0x3FAC] =	sst s3  }
0xc: {  	[smem:$0x3FAD] =	sst s4  }
0xd: {  	[smem:$0x3FAE] =	sst s5  }
0xe: {  	[smem:$0x3FAF] =	sst s6  }
0xf: {  	[smem:$0x3FB0] =	sst s7  }
0x10: {  	[smem:$0x3FB1] =	sst s8  }
0x11: {  	[smem:$0x3FB2] =	sst s9;
	s0 =	simm.s32 @!p0 $0x0  }
0x12: {  	s1 =	sld [smem:$0x3F98];
	s0 =	simm.s32 @p0 $0x1  }
0x13: {  	[smem:$0x3FB3] =	sst s0;
	s0 =	simm.s32 @!p1 $0x0  }
0x14: {  	s2 =	sld [smem:$0x3F97];
	s0 =	simm.s32 @p1 $0x1  }
0x15: {  	[smem:$0x3FB4] =	sst s0;
	s0 =	simm.s32 @!p2 $0x0  }
0x16: {  	s3 =	sld [smem:$0x3FDB];
	s0 =	simm.s32 @p2 $0x1  }
0x17: {  	s4 =	simm.s32 $0x1BF5;
	[smem:$0x3FB6] =	sst s0  }
0x18: {  	s0 =	sld [smem:$0x3F99];
	_ =	swait.ge [sflag:s4], $0x0  }
0x19: {  	s7 =	sld [smem:$0x3F9A]  }
0x1a: {  	s8 =	sadd.s32 $0xFFFFE003, lr  }
0x1b: {  	s9 =	sadd.s32 $0xFFFFFEF7, lr;
	s5 =	simm.s32 $0xFFFFFFFF;
	p2 =	slt.u32 s8, $0xFFFFF086  }
0x1c: {  	p1 =	slt.u32 s9, $0xF7A;
	s5 =	simm.s32 @!p2 $0x0  }
0x1d: {  	s5 =	simm.s32 @p1 $0x1;
	p0 =	seq.s32 s7, s2  }
0x1e: {  	s7 =	smul.u32 @!p0 $0xF7A, s2;
	p2 =	seq.s32 @!p0 s5, $0x0  }
0x1f: {  	s9 =	smul.u32 $0xF7A, s1;
	s8 =	simm.s32 @!p0 $0x1BF5;
	p2 =	por !p2, p0  }
0x20: {  	[sflag:s8] =	ssyncset.s32 @!p0 $0xFFFFF086;
	s6 =	sadd.s32 @!p0 s3, s7;
	s7 =	simm.s32 @!p0 $0x108  }
0x21: {  	s3 =	sadd.s32 s3, s9;
	s6 =	sadd.s32 @!p0 $0x88, s6;
	s7 =	simm.s32 @p2 $0x1082  }
0x22: {  	[simem:s7], [sflag:s8] =	dma.local @!p0 [hbm:s6], $0xF7A  }
0x23: {  	s9 =	sor.u32 $0xD0000000, s2;
	s6 =	simm.s32 $0x108;
	_ =	swait.ge @!p0 [sflag:s8], $0x0  }
0x24: {  	s3 =	sadd.s32 $0x88, s3;
	s6 =	simm.s32 @!p1 $0x1082;
	[sflag:s4] =	ssyncset.s32 $0xFFFFF086  }
0x25: {  	[simem:s6], [sflag:s4] =	dma.local [hbm:s3], $0xF7A  }
0x26: {  	[smem:$0x3F9A] =	sst s1;
	(tag) =	ssettag s2;
	_ =	strace s9  }
0x27: {  	s1 =	sld [smem:$0x3FAA]  }
0x28: {  	s2 =	sld [smem:$0x3FAB]  }
0x29: {  	s4 =	sld [smem:$0x3FAD]  }
0x2a: {  	p0 =	seq.s32 s5, $0x0;
	s5 =	sld [smem:$0x3FAE]  }
0x2b: {  	s6 =	sld [smem:$0x3FAF]  }
0x2c: {  	s7 =	sld [smem:$0x3FB0]  }
0x2d: {  	s3 =	simm.s32 $0x108;
	s8 =	sld [smem:$0x3FB1]  }
0x2e: {  	s3 =	simm.s32 @!p0 $0x1082;
	s9 =	sld [smem:$0x3FB2]  }
0x2f: {  	lr =	sadd.s32 s0, s3;
	s0 =	sld [smem:$0x3FA9]  }
0x30: {  	s3 =	sld [smem:$0x3FAC]  }
0x31: {  	[smem:$0x3FB5] =	sst s10  }
0x32: {  	s10 =	sld [smem:$0x3FB3];
	_ =	sdelay $0x3  }
0x33: {  	p0 =	seq.s32 s10, $0x1;
	s10 =	sld [smem:$0x3FB5];
	_ =	sdelay $0x3  }
0x34: {  	[smem:$0x3FB5] =	sst s10  }
0x35: {  	s10 =	sld [smem:$0x3FB4];
	_ =	sdelay $0x3  }
0x36: {  	p1 =	seq.s32 s10, $0x1;
	s10 =	sld [smem:$0x3FB5];
	_ =	sdelay $0x3  }
0x37: {  	[smem:$0x3FB5] =	sst s10  }
0x38: {  	s10 =	sld [smem:$0x3FB6]  }
0x39: {  	_ = 	snop;
	(pc) =	sbr.ind lr, $3  }
0x3a: {  	_ = 	snop  }
0x3b: {  	_ = 	snop  }
0x3c: {  	p2 =	seq.s32 s10, $0x1;
	s10 =	sld [smem:$0x3FB5]  }
0x3d: {  	_ =	shalt  }
0x3e: {  	_ =	shalt  }
0x3f: {  	_ =	shalt  }
0x40: {  	_ =	shalt  }
0x41: {  	_ =	shalt  }
0x42: {  	_ =	shalt  }
0x43: {  	_ =	shalt  }
0x44: {  	_ =	shalt  }
0x45: {  	_ =	shalt  }
0x46: {  	_ =	shalt  }
0x47: {  	_ =	shalt  }
0x48: {  	_ =	shalt  }
0x49: {  	_ =	shalt  }
0x4a: {  	_ =	shalt  }
0x4b: {  	_ =	shalt  }
0x4c: {  	_ =	shalt  }
0x4d: {  	_ =	shalt  }
0x4e: {  	_ =	shalt  }
0x4f: {  	_ =	shalt  }
0x50: {  	_ =	shalt  }
0x51: {  	_ =	shalt  }
0x52: {  	_ =	shalt  }
0x53: {  	_ =	shalt  }
0x54: {  	_ =	shalt  }
0x55: {  	_ =	shalt  }
0x56: {  	_ =	shalt  }
0x57: {  	_ =	shalt  }
0x58: {  	_ =	shalt  }
0x59: {  	_ =	shalt  }
0x5a: {  	_ =	shalt  }
0x5b: {  	_ =	shalt  }
0x5c: {  	_ =	shalt  }
0x5d: {  	_ =	shalt  }
0x5e: {  	_ =	shalt  }
0x5f: {  	_ =	shalt  }
0x60: {  	_ =	shalt  }
0x61: {  	_ =	shalt  }
0x62: {  	_ =	shalt  }
0x63: {  	_ =	shalt  }
0x64: {  	_ =	shalt  }
0x65: {  	_ =	shalt  }
0x66: {  	_ =	shalt  }
0x67: {  	_ =	shalt  }
0x68: {  	_ =	shalt  }
0x69: {  	_ =	shalt  }
0x6a: {  	_ =	shalt  }
0x6b: {  	_ =	shalt  }
0x6c: {  	_ =	shalt  }
0x6d: {  	_ =	shalt  }
0x6e: {  	_ =	shalt  }
0x6f: {  	_ =	shalt  }
0x70: {  	_ =	shalt  }
0x71: {  	_ =	shalt  }
0x72: {  	_ =	shalt  }
0x73: {  	_ =	shalt  }
0x74: {  	_ =	shalt  }
0x75: {  	_ =	shalt  }
0x76: {  	_ =	shalt  }
0x77: {  	_ =	shalt  }
0x78: {  	_ =	shalt  }
0x79: {  	_ =	shalt  }
0x7a: {  	_ =	shalt  }
0x7b: {  	_ =	shalt  }
0x7c: {  	_ =	shalt  }
0x7d: {  	_ =	shalt  }
0x7e: {  	_ =	shalt  }
0x7f: {  	_ =	shalt  }
0x80: {  	_ =	shalt  }
0x81: {  	_ =	shalt  }
0x82: {  	_ =	shalt  }
0x83: {  	_ =	shalt  }
0x84: {  	_ =	shalt  }
0x85: {  	_ =	shalt  }
0x86: {  	_ =	shalt  }
0x87: {  	_ =	shalt  }
.Lfunc_end0:
.L_simem_size_0:
called_computation_lowered:
.L_overlay_start_0:
0x88: {  	s2 =	sld [smem:$0x3FD9]  }
0x89: {  	s3 =	sld [smem:$0x3FFE];
	_ =	sdelay $0x1  }
0x8a: {  	s1 =	srdreg.scid  }
0x8b: {  	s0 =	sand.u32 $0x1, s1  }
0x8c: {  	s17 =	sshll.u32 s0, $0xA;
	s2 =	sadd.s32 s3, s2  }
0x8d: {  	s2 =	sadd.s32 s2, s17  }
0x8e: {  	[smem:$0x3FC1] =	sst s2  }
0x8f: {  	_ = 	snop  }
0x90: {  	s2 =	sld [smem:$0x3FD0];
	(tm) =	ssettm $0x1  }
0x91: {  	s18 =	sld [smem:$0x3FFB];
	_ =	sdelay $0x3  }
0x92: {  	_ =	strace s18  }
0x93: {  	s3 =	sld [smem:$0x3FFC];
	_ =	sdelay $0x3  }
0x94: {  	_ =	strace s3  }
0x95: {  	s3 =	sld [smem:$0x3FFD];
	_ =	sdelay $0x3  }
0x96: {  	_ =	strace s3  }
0x97: {  	_ =	strace $0x8FFFFFFF  }
0x98: {  	s19 =	sld [smem:$0x3FDB];
	_ =	sdelay $0x1  }
0x99: {  	s4 =	simm.s32 $_scs_section_size  }
0x9a: {  	s5 =	simm.s32 $_size__tile_overlayer_lowered;
	s6 =	simm.s32 $_tile_overlayer_lowered  }
0x9b: {  	s22 =	simm.s32 $0x1BFF;
	s21 =	sshll.u32 s6, $0x1;
	s3 =	sadd.s32 s4, s19  }
0x9c: {  	s7 =	simm.s32 $0x0;
	s20 =	sshll.u32 s5, $0x1;
	s5 =	sadd.s32 s21, s3  }
0x9d: {  	[timem:s7], [sflag:s22] =	dma.local [hbm:s5], s20  }
0x9e: {  	_ =	swait.ge [sflag:s22], s20  }
0x9f: {  	s4 =	ssub.s32 $0x0, s20;
	[sflag:s22] =	ssyncset.done $0x0  }
0xa0: {  	[sflag:s22] =	ssyncadd.s32 s4;
	_ =	sdelay $0x1  }
0xa1: {  	s23 =	simm.s32 $0x1B8B  }
0xa2: {  	_ =	swait.ge [sflag:s23], $0x1  }
0xa3: {  	[sflag:s23] =	ssyncset.done $0x0  }
0xa4: {  	s25 =	simm.s32 $0x1B8E;
	s24 =	sld [smem:$0x3FFE];
	[sflag:s23] =	ssyncadd.s32 $0xFFFFFFFF  }
0xa5: {  	s26 =	simm.s32 $execute0_lowered;
	[smem:$0x3FD2] =	sst s25  }
0xa6: {  	s5 =	sshll.u32 s26, $0x1;
	_ =	strace $0x80000046;
	[dreg:$0x1] =	wrdreg $0xFFFFFFFF  }
0xa7: {  	s28 =	simm.s32 $_size_execute0_lowered;
	s3 =	sadd.s32 s3, s5;
	[dreg:$0x0] =	wrdreg $0x0  }
0xa8: {  	s5 =	sshll.u32 s28, $0x1;
	[dreg:$0x2] =	wrdreg s3  }
0xa9: {  	[dreg:$0x3] =	wrdreg s5  }
0xaa: {  	[dreg:$0x4] =	wrdreg $0xC0  }
0xab: {  	_ =	task [dreg:s7], $0x5FFFF  }
0xac: {  	[dreg:$0x1] =	wrdreg $0xFFFFFFFF  }
0xad: {  	[dreg:$0x0] =	wrdreg $0x60  }
0xae: {  	[dreg:$0x2] =	wrdreg s24  }
0xaf: {  	[dreg:$0x3] =	wrdreg s2  }
0xb0: {  	[dreg:$0x4] =	wrdreg $0x49000  }
0xb1: {  	[dreg:$0x5] =	wrdreg $0x9  }
0xb2: {  	_ =	task.clear_ibuf [dreg:s7], $0x6FFFF;
	_ =	strace $0x90000046  }
0xb3: {  	s29 =	simm.s32 $0x9;
	_ =	strace $0x80000048  }
0xb4: {  	_ =	swait.ge [sflag:s29], $0x1  }
0xb5: {  	[sflag:s29] =	ssyncadd.s32 $0xFFFFFFFF  }
0xb6: {  	_ =	strace $0x90000048  }
0xb7: {  	_ =	sfence  }
0xb8: {  	s30 =	sld [smem:$0x0];
	_ =	sdelay $0x2  }
0xb9: {  	s31 =	sshll.u32 s1, $0xD;
	s1 =	sshrl.u32 s1, $0x2  }
0xba: {  	s3 =	sand.u32 $0x4000, s31;
	s1 =	sadd.s32 s1, s30  }
0xbb: {  	s0 =	sor.u32 s3, s0;
	s1 =	sshll.u32 s1, $0x11  }
0xbc: {  	s0 =	sor.u32 s1, s0  }
0xbd: {  	s0 =	sadd.s32 $0x8F2B, s0  }
0xbe: {  	[sflag:s0] =	ssyncadd.remote.s32 $0x1  }
0xbf: {  	_ =	sfence.sel $0xFFFF  }
0xc0: {  	[dreg:$0x0] =	wrdreg $0xFFFFFFFF;
	(pc) =	sbr.abs _section_cstart, $3  }
0xc1: {  	[dreg:$0x1] =	wrdreg $0xFFFFFFFF  }
0xc2: {  	_ =	task.clear_ibuf [dreg:s7], $0x2FFFF;
	_ =	strace $0x9FFFFFFF  }
0xc3: {  	(tm) =	ssettm $0x7FFFFFFF  }
tec
execute0_lowered:
.L_overlay_start_1:
0x0: {  	(tag) =	ssettag $0x1  }
0x1: {  	s5 =	rddreg [dreg:$0x0]  }
0x2: {  	s6 =	rddreg [dreg:$0x1]  }
0x3: {  	s2 =	rddreg [dreg:$0x2];
	s1 =	stileid.u32  }
0x4: {  	s0 =	rddreg [dreg:$0x3];
	s7 =	smul.u32 $0x15F90, s1  }
0x5: {  	s4 =	srdreg.scid;
	s3 =	simm.s32 $0x0;
	s10 =	smul.u32 $0x9E0, s1  }
0x6: {  	s8 =	sand.u32 $0x1, s4;
	[smem:$0x7FF] =	sst s3;
	s30 =	smul.u32 $0x9E, s1  }
0x7: {  	s4 =	sadd.s32 $0xAC00, s5;
	s28 =	sshll.u32 s1, $0x6;
	s9 =	smul.u32 $0x15F900, s8  }
0x8: {  	_ =	strace $0x80000047;
	s12 =	ssub.s32 $0x2, s8;
	s25 =	smul.u32 $0x4F0, s8  }
0x9: {  	s31 =	smul.u32 $0x4F, s8;
	s11 =	sshrl.u32 s7, $0x3;
	s13 =	sshrl.u32 s12, $0x1  }
0xa: {  	s14 =	sadd.s32 s10, s5;
	s15 =	sadd.s32 s7, s2;
	s26 =	sadd.s32 s10, s6  }
0xb: {  	s9 =	sadd.s32 s7, s9;
	s11 =	sadd.s32 s11, s5;
	s12 =	ssub.s32 s12, s13  }
0xc: {  	s29 =	sadd.s32 s25, s14;
	s7 =	sor.u32 $0x1C02, s28;
	s13 =	simm.s32 $0x2  }
0xd: {  	s9 =	sshrl.u32 s9, $0x3;
	s6 =	sadd.s32 $0x36C00, s11;
	s10 =	sadd.s32 $0xE00, s29  }
0xe: {  	s11 =	sadd.s32 s31, s30;
	s9 =	sadd.s32 s9, s5;
	s5 =	sadd.s32 s25, s26  }
0xf: {  	s8 =	sadd.s32 $0x62C00, s9;
	s9 =	smax.u32 s12, $0x1;
	s12 =	sshrl.u32 s15, $0x3  }
.LBB2_1:
0x10: {  	[spmem:s12], [sflag:s7] =	dma.local [hbm:s6], $0x2BF2  }
0x11: {  	_ =	swait.ge [sflag:s13], $0x2BF2  }
0x12: {  	p0 =	sgt.u32 s11, $0x9C3;
	[sflag:s13] =	ssyncset.done $0x0  }
0x13: {  	s14 =	sadd.s32 @!p0 $0x0, s10;
	[sflag:s13] =	ssyncadd.s32 $0xFFFFD40E  }
0x14: {  	s15 =	simm.s32 @!p0 $0x0;
	s16 =	simm.s32 @!p0 $0x3;
	[bflag:$0x0] =	sbarrier.arrive $0xFFFF  }
0x15: {  	[tilespmem:s15], [sflag:$0x3] =	stream.linear.gather @!p0 [hbm4b:s14+s15], $0x80, $0x38;
	[tilespmem:$0x1A890] =	vst v63  }
0x16: {  	_ =	swait.ge @!p0 [sflag:s16], $0x80;
	p0 =	por p0, p0  }
0x17: {  	[sflag:s16] =	ssyncset.done @!p0 $0x0  }
0x18: {  	s14 =	sadd.s32 @!p0 $0x0, s5;
	s17 =	simm.s32 @!p0 $0x80;
	[sflag:s16] =	ssyncadd.s32 @!p0 $0xFFFFFF80  }
0x19: {  	[tilespmem:s17], [sflag:$0x3] =	stream.linear.gather @!p0 [hbm4b:s14+s15], $0x80, $0x38;
	[tilespmem:$0x1A890] =	vst v63  }
0x1a: {  	_ =	swait.ge @!p0 [sflag:s16], $0x80  }
0x1b: {  	[sflag:s16] =	ssyncset.done @!p0 $0x0  }
0x1c: {  	s14 =	simm.s32 @!p0 $0x100;
	[sflag:s16] =	ssyncadd.s32 @!p0 $0xFFFFFF80;
	s16 =	simm.s32 @!p0 $0x1  }
0x1d: {  	[tilespmem:s14], [sflag:$0x1] =	stream.indirect.gather @!p0 [hbm4b:s4+s17], $0x90, s15, s17, $0xb8;
	[tilespmem:$0x1A890] =	vst v63  }
0x1e: {  	_ =	swait.ge @!p0 [sflag:s16], $0x4800  }
0x1f: {  	[sflag:s16] =	ssyncset.done @!p0 $0x0  }
0x20: {  	s15 =	sadd.s32 $0x1, s11;
	[sflag:s16] =	ssyncadd.s32 @!p0 $0xFFFFB800  }
0x21: {  	[spmem:s2] =	stream.indirect.scatter.add.f32 @!p0 [tilespmem:s14], [sflag:$0x2], $0x90, s17, s17, $0xb8;
	[tilespmem:$0x1A890] =	vst v63  }
0x22: {  	p2 =	sgt.u32 s15, $0x9C3;
	s17 =	simm.s32 @!p0 $0x2  }
0x23: {  	s16 =	simm.s32 $0x20;
	s14 =	simm.s32 $0x10;
	_ =	swait.ge @!p0 [sflag:s17], $0x4800  }
.LBB2_2:
0x24: {  	s18 =	sadd.s32 @!p2 s14, s10  }
0x25: {  	s19 =	simm.s32 @!p2 $0x0;
	[sflag:s17] =	ssyncset.done @!p0 $0x0;
	s20 =	smov.u32 s16  }
0x26: {  	s16 =	sadd.s32 $0x10, s16;
	s21 =	simm.s32 @!p2 $0x3;
	[sflag:s17] =	ssyncadd.s32 @!p0 $0xFFFFB800  }
0x27: {  	[tilespmem:s19], [sflag:$0x3] =	stream.linear.gather @!p2 [hbm4b:s18+s19], $0x80, $0x38;
	[tilespmem:$0x1A890] =	vst v63  }
0x28: {  	p1 =	sne.s32 s16, $0x4F0;
	p0 =	por p2, p2;
	_ =	swait.ge @!p2 [sflag:s21], $0x80  }
0x29: {  	[sflag:s21] =	ssyncset.done @!p0 $0x0  }
0x2a: {  	s14 =	sadd.s32 @!p0 s14, s5;
	s18 =	simm.s32 @!p0 $0x80;
	[sflag:s21] =	ssyncadd.s32 @!p0 $0xFFFFFF80  }
0x2b: {  	[tilespmem:s18], [sflag:$0x3] =	stream.linear.gather @!p0 [hbm4b:s14+s19], $0x80, $0x38;
	[tilespmem:$0x1A890] =	vst v63  }
0x2c: {  	s14 =	smov.u32 s20;
	_ =	swait.ge @!p0 [sflag:s21], $0x80  }
0x2d: {  	[sflag:s21] =	ssyncset.done @!p0 $0x0  }
0x2e: {  	s17 =	simm.s32 @!p0 $0x1;
	s20 =	simm.s32 @!p0 $0x100;
	[sflag:s21] =	ssyncadd.s32 @!p0 $0xFFFFFF80  }
0x2f: {  	[tilespmem:s20], [sflag:$0x1] =	stream.indirect.gather @!p0 [hbm4b:s4+s18], $0x90, s19, s18, $0xb8;
	[tilespmem:$0x1A890] =	vst v63  }
.Ltmp0:
0x30: {  	_ =	swait.ge @!p0 [sflag:s17], $0x4800;
	(pc) =	sbr.rel @p1 .LBB2_2-.Ltmp0, $4  }
0x31: {  	[sflag:s17] =	ssyncset.done @!p0 $0x0  }
0x32: {  	s15 =	sadd.s32 $0x1, s15;
	[sflag:s17] =	ssyncadd.s32 @!p0 $0xFFFFB800;
	s17 =	simm.s32 @!p0 $0x2  }
0x33: {  	[spmem:s2] =	stream.indirect.scatter.add.f32 @!p0 [tilespmem:s20], [sflag:$0x2], $0x90, s18, s18, $0xb8;
	[tilespmem:$0x1A890] =	vst v63  }
0x34: {  	p2 =	sgt.u32 s15, $0x9C3;
	_ =	swait.ge @!p0 [sflag:s17], $0x4800  }
0x35: {  	s15 =	sadd.s32 @!p2 s14, s10;
	[sflag:s17] =	ssyncset.done @!p0 $0x0  }
0x36: {  	s16 =	simm.s32 @!p2 $0x0;
	s18 =	simm.s32 @!p2 $0x3;
	[sflag:s17] =	ssyncadd.s32 @!p0 $0xFFFFB800  }
0x37: {  	[tilespmem:s16], [sflag:$0x3] =	stream.linear.gather @!p2 [hbm4b:s15+s16], $0x80, $0x38;
	[tilespmem:$0x1A890] =	vst v63  }
0x38: {  	p0 =	por p2, p2;
	_ =	swait.ge @!p2 [sflag:s18], $0x80  }
0x39: {  	[sflag:s18] =	ssyncset.done @!p0 $0x0  }
0x3a: {  	s14 =	sadd.s32 @!p0 s14, s5;
	s15 =	simm.s32 @!p0 $0x80;
	[sflag:s18] =	ssyncadd.s32 @!p0 $0xFFFFFF80  }
0x3b: {  	[tilespmem:s15], [sflag:$0x3] =	stream.linear.gather @!p0 [hbm4b:s14+s16], $0x80, $0x38;
	[tilespmem:$0x1A890] =	vst v63  }
0x3c: {  	_ =	swait.ge @!p0 [sflag:s18], $0x80  }
0x3d: {  	[sflag:s18] =	ssyncset.done @!p0 $0x0  }
0x3e: {  	s17 =	simm.s32 @!p0 $0x1;
	s14 =	simm.s32 @!p0 $0x100;
	[sflag:s18] =	ssyncadd.s32 @!p0 $0xFFFFFF80  }
0x3f: {  	[tilespmem:s14], [sflag:$0x1] =	stream.indirect.gather @!p0 [hbm4b:s4+s15], $0x90, s16, s15, $0xb8;
	[tilespmem:$0x1A890] =	vst v63  }
0x40: {  	_ =	swait.ge @!p0 [sflag:s17], $0x4800  }
0x41: {  	[sflag:s17] =	ssyncset.done @!p0 $0x0  }
0x42: {  	s16 =	simm.s32 @!p0 $0x2;
	[sflag:s17] =	ssyncadd.s32 @!p0 $0xFFFFB800  }
0x43: {  	[spmem:s2] =	stream.indirect.scatter.add.f32 @!p0 [tilespmem:s14], [sflag:$0x2], $0x90, s15, s15, $0xb8;
	[tilespmem:$0x1A890] =	vst v63  }
0x44: {  	_ =	swait.ge @!p0 [sflag:s16], $0x4800  }
0x45: {  	s3 =	sadd.s32 $0x1, s3;
	[sflag:s16] =	ssyncset.done @!p0 $0x0  }
0x46: {  	[sflag:s16] =	ssyncadd.s32 @!p0 $0xFFFFB800;
	p0 =	sne.s32 s3, s9  }
.Ltmp1:
0x47: {  	[bflag:$0x0] =	sbarrier.arrive $0xFFFF;
	(pc) =	sbr.rel @p0 .LBB2_1-.Ltmp1, $4  }
0x48: {  	[hbm:s8], [sflag:s7] =	dma.local [spmem:s12], $0x2BF2  }
0x49: {  	_ =	swait.ge [sflag:s13], $0x2BF2  }
0x4a: {  	[sflag:s13] =	ssyncset.done $0x0  }
0x4b: {  	[sflag:s13] =	ssyncadd.s32 $0xFFFFD40E  }
0x4c: {  	_ =	sfence.sel $0x180000  }
0x4d: {  	[bflag:$0x0] =	sbarrier.arrive $0xFFFF  }
0x4e: {  	p0 =	sne.s32 s1, $0x0;
	_ =	strace $0x90000047  }
0x4f: {  	s0 =	sadd.s32 @!p0 $0x100000, s0;
	[bflag:$0x2] =	sbarrier.arrive $0xFFFF  }
0x50: {  	[sflag:s0] =	ssyncadd.tile.s32 @!p0 $0x1;
	_ =	shalt  }
.Lfunc_end2:
_tile_overlayer_lowered:
.L_overlay_start_2:
0x51: {  	(tag) =	ssettag $0x2  }
0x52: {  	s0 =	rddreg [dreg:$0x0];
	s2 =	stileid.u32  }
0x53: {  	s1 =	rddreg [dreg:$0x1];
	p0 =	sne.s32 s2, $0x0  }
0x54: {  	s3 =	rddreg [dreg:$0x2];
	[bflag:$0x3] =	sbarrier.arrive $0xFFFF;
	s2 =	simm.s32 @!p0 $0x1C02  }
0x55: {  	[timem:s3], [sflag:s2] =	dma.local @!p0 [hbm:s0], s1  }
0x56: {  	s0 =	simm.s32 @!p0 $0x2  }
0x57: {  	_ =	swait.ge @!p0 [sflag:s0], s1  }
0x58: {  	s1 =	ssub.s32 @!p0 $0x0, s1;
	[sflag:s0] =	ssyncset.done @!p0 $0x0  }
0x59: {  	[sflag:s0] =	ssyncadd.s32 @!p0 s1  }
0x5a: {  	[bflag:$0x3] =	sbarrier.arrive $0xFFFF  }
0x5b: {  	_ =	shalt  }

</sc_bundles>
